<compile_context>
chip_gen: v7x
topology: tpu7x:2x2x1
jax: 0.10.2.dev20260603
libtpu: 0.0.44.dev20260713+nightly
codegen_flags: <defaults>
</compile_context>

<pallas_src>
import functools

import jax
import jax.numpy as jnp
from jax import lax
from jax.experimental import pallas as pl
from jax.experimental.pallas import tpu as pltpu
from jax.experimental.pallas import tpu_sc as plsc

_V = 100000
_D = 64
_H = 128
_L = 200

_BPW = 8
_NACT = _L // _BPW
_NW = 32

_BV = 12800
_NB = (_V + _BV - 1) // _BV


def _sc_gather_sum(inputs_i32, emb):
    mesh = plsc.VectorSubcoreMesh(core_axis_name="c", subcore_axis_name="s")

    @functools.partial(
        pl.kernel,
        mesh=mesh,
        out_type=jax.ShapeDtypeStruct((_NW, _D), jnp.float32),
        compiler_params=pltpu.CompilerParams(use_tc_tiling_on_sc=False),
        scratch_types=[
            pltpu.VMEM((_BPW,), jnp.int32),
            pltpu.VMEM((_BPW, _D), jnp.float32),
            pltpu.VMEM((1, _D), jnp.float32),
            pltpu.SemaphoreType.DMA,
        ],
    )
    def gather_sum(idx_hbm, table_hbm, out_hbm, idx_v, rows_v, sum_v, sem):
        wid = lax.axis_index("s") * 2 + lax.axis_index("c")

        @pl.when(wid < _NACT)
        def _active():
            pltpu.sync_copy(idx_hbm.at[pl.ds(wid * _BPW, _BPW)], idx_v)
            pltpu.async_copy(table_hbm.at[idx_v], rows_v, sem).wait()
            for d in range(_D // 16):
                acc = rows_v[0, pl.ds(d * 16, 16)]
                for r in range(1, _BPW):
                    acc = acc + rows_v[r, pl.ds(d * 16, 16)]
                sum_v[0, pl.ds(d * 16, 16)] = acc

        @pl.when(wid >= _NACT)
        def _idle():
            for d in range(_D // 16):
                sum_v[0, pl.ds(d * 16, 16)] = jnp.zeros((16,), jnp.float32)

        pltpu.sync_copy(sum_v, out_hbm.at[pl.ds(wid, 1)])

    return gather_sum(inputs_i32, emb)


def _mlp_body(parts_ref, w1_ref, b1_ref, w2a_ref, w2b_ref, b2_ref, out_ref,
              h_ref, m_ref, s_ref):
    j = pl.program_id(0)

    @pl.when(j == 0)
    def _init():
        embeds = jnp.sum(parts_ref[...], axis=0, keepdims=True)
        h = lax.dot_general(embeds, w1_ref[...], (((1,), (0,)), ((), ())),
                            preferred_element_type=jnp.float32)
        h_ref[...] = jnp.maximum(h + b1_ref[...], 0.0)
        m_ref[...] = jnp.full((1, 1), -jnp.inf, jnp.float32)
        s_ref[...] = jnp.zeros((1, 1), jnp.float32)

    za = lax.dot_general(h_ref[:, :_H // 2], w2a_ref[...],
                         (((1,), (0,)), ((), ())),
                         preferred_element_type=jnp.float32)
    zb = lax.dot_general(h_ref[:, _H // 2:], w2b_ref[...],
                         (((1,), (0,)), ((), ())),
                         preferred_element_type=jnp.float32)
    z = za + zb + b2_ref[...]
    out_ref[pl.ds(j, 1), :] = z

    col = j * _BV + lax.broadcasted_iota(jnp.int32, (1, _BV), 1)
    zm = jnp.where(col < _V, z, -jnp.inf)

    m_old = m_ref[...]
    m_new = jnp.maximum(m_old, jnp.max(zm, axis=1, keepdims=True))
    s_ref[...] = (s_ref[...] * jnp.exp(m_old - m_new)
                  + jnp.sum(jnp.exp(zm - m_new), axis=1, keepdims=True))
    m_ref[...] = m_new

    @pl.when(j == pl.num_programs(0) - 1)
    def _finalize():
        lse = m_ref[...] + jnp.log(s_ref[...])
        out_ref[...] = out_ref[...] - lse


def _tc_mlp_logsoftmax(partials, W1, b1, W2, b2):
    return pl.pallas_call(
        _mlp_body,
        grid=(_NB,),
        in_specs=[
            pl.BlockSpec((_NW, _D), lambda j: (0, 0)),
            pl.BlockSpec((_D, _H), lambda j: (0, 0)),
            pl.BlockSpec((1, _H), lambda j: (0, 0)),
            pl.BlockSpec((_H // 2, _BV), lambda j: (0, j)),
            pl.BlockSpec((_H // 2, _BV), lambda j: (1, j)),
            pl.BlockSpec((1, _BV), lambda j: (0, j)),
        ],
        out_specs=pl.BlockSpec((_NB, _BV), lambda j: (0, 0)),
        out_shape=jax.ShapeDtypeStruct((_NB, _BV), jnp.float32),
        scratch_shapes=[
            pltpu.VMEM((1, _H), jnp.float32),
            pltpu.VMEM((1, 1), jnp.float32),
            pltpu.VMEM((1, 1), jnp.float32),
        ],
    )(partials, W1, b1.reshape(1, _H), W2, W2, b2.reshape(1, _V))


def kernel(inputs, emb, W1, b1, W2, b2):
    partials = _sc_gather_sum(inputs.astype(jnp.int32), emb)
    out = _tc_mlp_logsoftmax(partials, W1, b1, W2, b2)
    return out.reshape(1, _NB * _BV)[:, :_V]

# --- scband reference (transcript-rebuilt; emitter-appended) ---
"""Pipeline reference for scband-cbow-65343632441487 (READ-ONLY COPY).

The authoritative reference and input builder live on the scoring server;
editing this copy changes nothing except your own understanding.
"""

import jax, jax.numpy as jnp
import numpy as np

V = 100000
D = 64
H = 128
L = 200

def setup_inputs(seed: int = 0) -> dict:
    key = jax.random.key(seed)
    k0, k1, k2, k3 = jax.random.split(key, 4)
    inputs = jax.random.randint(k0, (L,), 0, V, dtype=jnp.int64) if jax.config.jax_enable_x64 else jax.random.randint(k0, (L,), 0, V).astype(jnp.int32)
    emb = jax.random.normal(k1, (V, D), dtype=jnp.float32)
    W1 = jax.random.normal(k2, (D, H), dtype=jnp.float32) * 0.05
    b1 = jnp.zeros((H,), dtype=jnp.float32)
    W2 = jax.random.normal(k3, (H, V), dtype=jnp.float32) * 0.05
    b2 = jnp.zeros((V,), dtype=jnp.float32)
    return {"inputs": inputs, "emb": emb, "W1": W1, "b1": b1, "W2": W2, "b2": b2}

def reference(inputs, emb, W1, b1, W2, b2):
    # embeds = sum(self.embeddings(inputs)).view(1, -1)
    embeds = jnp.take(emb, inputs, axis=0).sum(axis=0).reshape(1, -1)
    # linear1 + ReLU
    out = jnp.maximum(embeds @ W1 + b1, 0.0)
    # linear2 + LogSoftmax(dim=-1)
    out = out @ W2 + b2
    out = jax.nn.log_softmax(out, axis=-1)
    return out

if __name__ == "__main__":
    import jax
    _d = setup_inputs()
    print(jax.jit(kernel)(*tuple(_d.values())))

</pallas_src>

<mosaic_0001>
#map = affine_map<(d0, d1) -> (0)>
#map1 = affine_map<(d0, d1) -> (0, 0)>
module attributes {stable_mosaic.version = 14 : i64} {
  func.func @gather_sum(%arg0: i32, %arg1: i32, %arg2: memref<200xi32, #tpu.memory_space<hbm>>, %arg3: memref<100000x64xf32, #tpu.memory_space<hbm>>, %arg4: memref<32x64xf32, #tpu.memory_space<hbm>>, %arg5: memref<8xi32, #tpu.memory_space<vmem>>, %arg6: memref<8x64xf32, #tpu.memory_space<vmem>>, %arg7: memref<1x64xf32, #tpu.memory_space<vmem>>, %arg8: memref<!tpu.dma_semaphore, #tpu.memory_space<semaphore_mem>>) attributes {dimension_semantics = [#tpu.dimension_semantics<core_parallel>, #tpu.dimension_semantics<subcore_parallel>], iteration_bounds = array<i64: 2, 16>, scalar_prefetch = 0 : i64, scratch_operands = 4 : i64, tpu.core_type = #tpu.core_type<sc_vector_subcore>, window_params = [{transform_indices = #map}, {transform_indices = #map1}, {transform_indices = #map1}]} {
    %mul3A = arith.constant 2 : i32
    %mul3A_0 = arith.muli %arg1, %mul3A : i32
    %add3A = arith.addi %mul3A_0, %arg0 : i32
    %lt3A = arith.constant 25 : i32
    %lt3A_1 = arith.cmpi slt, %add3A, %lt3A : i32
    %convert_element_type3A = arith.extui %lt3A_1 : i1 to i32
    %cond3A = arith.constant 0 : i32
    %cond3A_2 = arith.cmpi ne, %convert_element_type3A, %cond3A : i32
    scf.if %cond3A_2 {
      %mul3A_7 = arith.constant 8 : i32
      %mul3A_8 = arith.muli %add3A, %mul3A_7 : i32
      "tpu.region"() ({
        %run_scoped3A = tpu.sem_alloc : memref<!tpu.dma_semaphore, #tpu.memory_space<semaphore_mem>>
        %dma_start3A_223 = tpu.memref_slice %arg2[%mul3A_8] : memref<200xi32, #tpu.memory_space<hbm>> -> memref<8xi32, #tpu.memory_space<hbm>>
        %dma_start3A_224 = tpu.memref_slice %arg2[%mul3A_8] : memref<200xi32, #tpu.memory_space<hbm>> -> memref<8xi32, #tpu.memory_space<hbm>>
        tpu.enqueue_dma source(%dma_start3A_224 : memref<8xi32, #tpu.memory_space<hbm>>) target(%arg5 : memref<8xi32, #tpu.memory_space<vmem>>) target_semaphore(%run_scoped3A : memref<!tpu.dma_semaphore, #tpu.memory_space<semaphore_mem>>)
        %dma_wait3A_225 = tpu.memref_slice %arg2[%mul3A_8] : memref<200xi32, #tpu.memory_space<hbm>> -> memref<8xi32, #tpu.memory_space<hbm>>
        %dma_wait3A_226 = tpu.memref_slice %arg2[%mul3A_8] : memref<200xi32, #tpu.memory_space<hbm>> -> memref<8xi32, #tpu.memory_space<hbm>>
        tpu.wait_dma2 semaphore(%run_scoped3A : memref<!tpu.dma_semaphore, #tpu.memory_space<semaphore_mem>>) src(%dma_wait3A_226 : memref<8xi32, #tpu.memory_space<hbm>>) dst(%arg5 : memref<8xi32, #tpu.memory_space<vmem>>)
        tpu.yield
      }) : () -> ()
      %dma_start3A = arith.constant 0 : i32
      %dma_start3A_9 = arith.constant 0 : i32
      %dma_start3A_10 = tpu.memref_slice %arg3[%dma_start3A, %dma_start3A_9] : memref<100000x64xf32, #tpu.memory_space<hbm>> -> memref<100000x64xf32, #tpu.memory_space<hbm>>
      tpu.enqueue_indirect_dma source(%dma_start3A_10 : memref<100000x64xf32, #tpu.memory_space<hbm>>) target(%arg6 : memref<8x64xf32, #tpu.memory_space<vmem>>) offsets(%arg5 : memref<8xi32, #tpu.memory_space<vmem>>) semaphore(%arg8 : memref<!tpu.dma_semaphore, #tpu.memory_space<semaphore_mem>>)
      %dma_wait3A = arith.constant 0 : i32
      %dma_wait3A_11 = arith.constant 0 : i32
      %dma_wait3A_12 = tpu.memref_slice %arg3[%dma_wait3A, %dma_wait3A_11] : memref<100000x64xf32, #tpu.memory_space<hbm>> -> memref<100000x64xf32, #tpu.memory_space<hbm>>
      tpu.wait_indirect_dma semaphore(%arg8 : memref<!tpu.dma_semaphore, #tpu.memory_space<semaphore_mem>>) src(%dma_wait3A_12 : memref<100000x64xf32, #tpu.memory_space<hbm>>) dst(%arg6 : memref<8x64xf32, #tpu.memory_space<vmem>>)
      %get3A = arith.constant 0 : i32
      %get3A_13 = arith.index_cast %get3A : i32 to index
      %get3A_14 = arith.constant 0 : index
      %get3A_15 = tpu.vector_load %arg6[%get3A_13, %get3A_14] {strides = array<i32>} : memref<8x64xf32, #tpu.memory_space<vmem>>, vector<1x16xf32>,
      %get3A_16 = vector.shape_cast %get3A_15 : vector<1x16xf32> to vector<16xf32>
      %get3A_17 = arith.constant 1 : i32
      %get3A_18 = arith.index_cast %get3A_17 : i32 to index
      %get3A_19 = arith.constant 0 : index
      %get3A_20 = tpu.vector_load %arg6[%get3A_18, %get3A_19] {strides = array<i32>} : memref<8x64xf32, #tpu.memory_space<vmem>>, vector<1x16xf32>,
      %get3A_21 = vector.shape_cast %get3A_20 : vector<1x16xf32> to vector<16xf32>
      %add3A_22 = arith.addf %get3A_16, %get3A_21 : vector<16xf32>
      %get3A_23 = arith.constant 2 : i32
      %get3A_24 = arith.index_cast %get3A_23 : i32 to index
      %get3A_25 = arith.constant 0 : index
      %get3A_26 = tpu.vector_load %arg6[%get3A_24, %get3A_25] {strides = array<i32>} : memref<8x64xf32, #tpu.memory_space<vmem>>, vector<1x16xf32>,
      %get3A_27 = vector.shape_cast %get3A_26 : vector<1x16xf32> to vector<16xf32>
      %add3A_28 = arith.addf %add3A_22, %get3A_27 : vector<16xf32>
      %get3A_29 = arith.constant 3 : i32
      %get3A_30 = arith.index_cast %get3A_29 : i32 to index
      %get3A_31 = arith.constant 0 : index
      %get3A_32 = tpu.vector_load %arg6[%get3A_30, %get3A_31] {strides = array<i32>} : memref<8x64xf32, #tpu.memory_space<vmem>>, vector<1x16xf32>,
      %get3A_33 = vector.shape_cast %get3A_32 : vector<1x16xf32> to vector<16xf32>
      %add3A_34 = arith.addf %add3A_28, %get3A_33 : vector<16xf32>
      %get3A_35 = arith.constant 4 : i32
      %get3A_36 = arith.index_cast %get3A_35 : i32 to index
      %get3A_37 = arith.constant 0 : index
      %get3A_38 = tpu.vector_load %arg6[%get3A_36, %get3A_37] {strides = array<i32>} : memref<8x64xf32, #tpu.memory_space<vmem>>, vector<1x16xf32>,
      %get3A_39 = vector.shape_cast %get3A_38 : vector<1x16xf32> to vector<16xf32>
      %add3A_40 = arith.addf %add3A_34, %get3A_39 : vector<16xf32>
      %get3A_41 = arith.constant 5 : i32
      %get3A_42 = arith.index_cast %get3A_41 : i32 to index
      %get3A_43 = arith.constant 0 : index
      %get3A_44 = tpu.vector_load %arg6[%get3A_42, %get3A_43] {strides = array<i32>} : memref<8x64xf32, #tpu.memory_space<vmem>>, vector<1x16xf32>,
      %get3A_45 = vector.shape_cast %get3A_44 : vector<1x16xf32> to vector<16xf32>
      %add3A_46 = arith.addf %add3A_40, %get3A_45 : vector<16xf32>
      %get3A_47 = arith.constant 6 : i32
      %get3A_48 = arith.index_cast %get3A_47 : i32 to index
      %get3A_49 = arith.constant 0 : index
      %get3A_50 = tpu.vector_load %arg6[%get3A_48, %get3A_49] {strides = array<i32>} : memref<8x64xf32, #tpu.memory_space<vmem>>, vector<1x16xf32>,
      %get3A_51 = vector.shape_cast %get3A_50 : vector<1x16xf32> to vector<16xf32>
      %add3A_52 = arith.addf %add3A_46, %get3A_51 : vector<16xf32>
      %get3A_53 = arith.constant 7 : i32
      %get3A_54 = arith.index_cast %get3A_53 : i32 to index
      %get3A_55 = arith.constant 0 : index
      %get3A_56 = tpu.vector_load %arg6[%get3A_54, %get3A_55] {strides = array<i32>} : memref<8x64xf32, #tpu.memory_space<vmem>>, vector<1x16xf32>,
      %get3A_57 = vector.shape_cast %get3A_56 : vector<1x16xf32> to vector<16xf32>
      %add3A_58 = arith.addf %add3A_52, %get3A_57 : vector<16xf32>
      %swap3A = arith.constant 0 : i32
      %swap3A_59 = arith.index_cast %swap3A : i32 to index
      %swap3A_60 = arith.constant 0 : index
      %swap3A_61 = tpu.vector_load %arg7[%swap3A_59, %swap3A_60] {strides = array<i32>} : memref<1x64xf32, #tpu.memory_space<vmem>>, vector<1x16xf32>,
      %swap3A_62 = vector.shape_cast %swap3A_61 : vector<1x16xf32> to vector<16xf32>
      %swap3A_63 = vector.shape_cast %add3A_58 : vector<16xf32> to vector<1x16xf32>
      tpu.vector_store %arg7[%swap3A_59, %swap3A_60], %swap3A_63 {strides = array<i32>} : memref<1x64xf32, #tpu.memory_space<vmem>>, vector<1x16xf32>,
      %get3A_64 = arith.constant 0 : i32
      %get3A_65 = arith.index_cast %get3A_64 : i32 to index
      %get3A_66 = arith.constant 16 : index
      %get3A_67 = tpu.vector_load %arg6[%get3A_65, %get3A_66] {strides = array<i32>} : memref<8x64xf32, #tpu.memory_space<vmem>>, vector<1x16xf32>,
      %get3A_68 = vector.shape_cast %get3A_67 : vector<1x16xf32> to vector<16xf32>
      %get3A_69 = arith.constant 1 : i32
      %get3A_70 = arith.index_cast %get3A_69 : i32 to index
      %get3A_71 = arith.constant 16 : index
      %get3A_72 = tpu.vector_load %arg6[%get3A_70, %get3A_71] {strides = array<i32>} : memref<8x64xf32, #tpu.memory_space<vmem>>, vector<1x16xf32>,
      %get3A_73 = vector.shape_cast %get3A_72 : vector<1x16xf32> to vector<16xf32>
      %add3A_74 = arith.addf %get3A_68, %get3A_73 : vector<16xf32>
      %get3A_75 = arith.constant 2 : i32
      %get3A_76 = arith.index_cast %get3A_75 : i32 to index
      %get3A_77 = arith.constant 16 : index
      %get3A_78 = tpu.vector_load %arg6[%get3A_76, %get3A_77] {strides = array<i32>} : memref<8x64xf32, #tpu.memory_space<vmem>>, vector<1x16xf32>,
      %get3A_79 = vector.shape_cast %get3A_78 : vector<1x16xf32> to vector<16xf32>
      %add3A_80 = arith.addf %add3A_74, %get3A_79 : vector<16xf32>
      %get3A_81 = arith.constant 3 : i32
      %get3A_82 = arith.index_cast %get3A_81 : i32 to index
      %get3A_83 = arith.constant 16 : index
      %get3A_84 = tpu.vector_load %arg6[%get3A_82, %get3A_83] {strides = array<i32>} : memref<8x64xf32, #tpu.memory_space<vmem>>, vector<1x16xf32>,
      %get3A_85 = vector.shape_cast %get3A_84 : vector<1x16xf32> to vector<16xf32>
      %add3A_86 = arith.addf %add3A_80, %get3A_85 : vector<16xf32>
      %get3A_87 = arith.constant 4 : i32
      %get3A_88 = arith.index_cast %get3A_87 : i32 to index
      %get3A_89 = arith.constant 16 : index
      %get3A_90 = tpu.vector_load %arg6[%get3A_88, %get3A_89] {strides = array<i32>} : memref<8x64xf32, #tpu.memory_space<vmem>>, vector<1x16xf32>,
      %get3A_91 = vector.shape_cast %get3A_90 : vector<1x16xf32> to vector<16xf32>
      %add3A_92 = arith.addf %add3A_86, %get3A_91 : vector<16xf32>
      %get3A_93 = arith.constant 5 : i32
      %get3A_94 = arith.index_cast %get3A_93 : i32 to index
      %get3A_95 = arith.constant 16 : index
      %get3A_96 = tpu.vector_load %arg6[%get3A_94, %get3A_95] {strides = array<i32>} : memref<8x64xf32, #tpu.memory_space<vmem>>, vector<1x16xf32>,
      %get3A_97 = vector.shape_cast %get3A_96 : vector<1x16xf32> to vector<16xf32>
      %add3A_98 = arith.addf %add3A_92, %get3A_97 : vector<16xf32>
      %get3A_99 = arith.constant 6 : i32
      %get3A_100 = arith.index_cast %get3A_99 : i32 to index
      %get3A_101 = arith.constant 16 : index
      %get3A_102 = tpu.vector_load %arg6[%get3A_100, %get3A_101] {strides = array<i32>} : memref<8x64xf32, #tpu.memory_space<vmem>>, vector<1x16xf32>,
      %get3A_103 = vector.shape_cast %get3A_102 : vector<1x16xf32> to vector<16xf32>
      %add3A_104 = arith.addf %add3A_98, %get3A_103 : vector<16xf32>
      %get3A_105 = arith.constant 7 : i32
      %get3A_106 = arith.index_cast %get3A_105 : i32 to index
      %get3A_107 = arith.constant 16 : index
      %get3A_108 = tpu.vector_load %arg6[%get3A_106, %get3A_107] {strides = array<i32>} : memref<8x64xf32, #tpu.memory_space<vmem>>, vector<1x16xf32>,
      %get3A_109 = vector.shape_cast %get3A_108 : vector<1x16xf32> to vector<16xf32>
      %add3A_110 = arith.addf %add3A_104, %get3A_109 : vector<16xf32>
      %swap3A_111 = arith.constant 0 : i32
      %swap3A_112 = arith.index_cast %swap3A_111 : i32 to index
      %swap3A_113 = arith.constant 16 : index
      %swap3A_114 = tpu.vector_load %arg7[%swap3A_112, %swap3A_113] {strides = array<i32>} : memref<1x64xf32, #tpu.memory_space<vmem>>, vector<1x16xf32>,
      %swap3A_115 = vector.shape_cast %swap3A_114 : vector<1x16xf32> to vector<16xf32>
      %swap3A_116 = vector.shape_cast %add3A_110 : vector<16xf32> to vector<1x16xf32>
      tpu.vector_store %arg7[%swap3A_112, %swap3A_113], %swap3A_116 {strides = array<i32>} : memref<1x64xf32, #tpu.memory_space<vmem>>, vector<1x16xf32>,
      %get3A_117 = arith.constant 0 : i32
      %get3A_118 = arith.index_cast %get3A_117 : i32 to index
      %get3A_119 = arith.constant 32 : index
      %get3A_120 = tpu.vector_load %arg6[%get3A_118, %get3A_119] {strides = array<i32>} : memref<8x64xf32, #tpu.memory_space<vmem>>, vector<1x16xf32>,
      %get3A_121 = vector.shape_cast %get3A_120 : vector<1x16xf32> to vector<16xf32>
      %get3A_122 = arith.constant 1 : i32
      %get3A_123 = arith.index_cast %get3A_122 : i32 to index
      %get3A_124 = arith.constant 32 : index
      %get3A_125 = tpu.vector_load %arg6[%get3A_123, %get3A_124] {strides = array<i32>} : memref<8x64xf32, #tpu.memory_space<vmem>>, vector<1x16xf32>,
      %get3A_126 = vector.shape_cast %get3A_125 : vector<1x16xf32> to vector<16xf32>
      %add3A_127 = arith.addf %get3A_121, %get3A_126 : vector<16xf32>
      %get3A_128 = arith.constant 2 : i32
      %get3A_129 = arith.index_cast %get3A_128 : i32 to index
      %get3A_130 = arith.constant 32 : index
      %get3A_131 = tpu.vector_load %arg6[%get3A_129, %get3A_130] {strides = array<i32>} : memref<8x64xf32, #tpu.memory_space<vmem>>, vector<1x16xf32>,
      %get3A_132 = vector.shape_cast %get3A_131 : vector<1x16xf32> to vector<16xf32>
      %add3A_133 = arith.addf %add3A_127, %get3A_132 : vector<16xf32>
      %get3A_134 = arith.constant 3 : i32
      %get3A_135 = arith.index_cast %get3A_134 : i32 to index
      %get3A_136 = arith.constant 32 : index
      %get3A_137 = tpu.vector_load %arg6[%get3A_135, %get3A_136] {strides = array<i32>} : memref<8x64xf32, #tpu.memory_space<vmem>>, vector<1x16xf32>,
      %get3A_138 = vector.shape_cast %get3A_137 : vector<1x16xf32> to vector<16xf32>
      %add3A_139 = arith.addf %add3A_133, %get3A_138 : vector<16xf32>
      %get3A_140 = arith.constant 4 : i32
      %get3A_141 = arith.index_cast %get3A_140 : i32 to index
      %get3A_142 = arith.constant 32 : index
      %get3A_143 = tpu.vector_load %arg6[%get3A_141, %get3A_142] {strides = array<i32>} : memref<8x64xf32, #tpu.memory_space<vmem>>, vector<1x16xf32>,
      %get3A_144 = vector.shape_cast %get3A_143 : vector<1x16xf32> to vector<16xf32>
      %add3A_145 = arith.addf %add3A_139, %get3A_144 : vector<16xf32>
      %get3A_146 = arith.constant 5 : i32
      %get3A_147 = arith.index_cast %get3A_146 : i32 to index
      %get3A_148 = arith.constant 32 : index
      %get3A_149 = tpu.vector_load %arg6[%get3A_147, %get3A_148] {strides = array<i32>} : memref<8x64xf32, #tpu.memory_space<vmem>>, vector<1x16xf32>,
      %get3A_150 = vector.shape_cast %get3A_149 : vector<1x16xf32> to vector<16xf32>
      %add3A_151 = arith.addf %add3A_145, %get3A_150 : vector<16xf32>
      %get3A_152 = arith.constant 6 : i32
      %get3A_153 = arith.index_cast %get3A_152 : i32 to index
      %get3A_154 = arith.constant 32 : index
      %get3A_155 = tpu.vector_load %arg6[%get3A_153, %get3A_154] {strides = array<i32>} : memref<8x64xf32, #tpu.memory_space<vmem>>, vector<1x16xf32>,
      %get3A_156 = vector.shape_cast %get3A_155 : vector<1x16xf32> to vector<16xf32>
      %add3A_157 = arith.addf %add3A_151, %get3A_156 : vector<16xf32>
      %get3A_158 = arith.constant 7 : i32
      %get3A_159 = arith.index_cast %get3A_158 : i32 to index
      %get3A_160 = arith.constant 32 : index
      %get3A_161 = tpu.vector_load %arg6[%get3A_159, %get3A_160] {strides = array<i32>} : memref<8x64xf32, #tpu.memory_space<vmem>>, vector<1x16xf32>,
      %get3A_162 = vector.shape_cast %get3A_161 : vector<1x16xf32> to vector<16xf32>
      %add3A_163 = arith.addf %add3A_157, %get3A_162 : vector<16xf32>
      %swap3A_164 = arith.constant 0 : i32
      %swap3A_165 = arith.index_cast %swap3A_164 : i32 to index
      %swap3A_166 = arith.constant 32 : index
      %swap3A_167 = tpu.vector_load %arg7[%swap3A_165, %swap3A_166] {strides = array<i32>} : memref<1x64xf32, #tpu.memory_space<vmem>>, vector<1x16xf32>,
      %swap3A_168 = vector.shape_cast %swap3A_167 : vector<1x16xf32> to vector<16xf32>
      %swap3A_169 = vector.shape_cast %add3A_163 : vector<16xf32> to vector<1x16xf32>
      tpu.vector_store %arg7[%swap3A_165, %swap3A_166], %swap3A_169 {strides = array<i32>} : memref<1x64xf32, #tpu.memory_space<vmem>>, vector<1x16xf32>,
      %get3A_170 = arith.constant 0 : i32
      %get3A_171 = arith.index_cast %get3A_170 : i32 to index
      %get3A_172 = arith.constant 48 : index
      %get3A_173 = tpu.vector_load %arg6[%get3A_171, %get3A_172] {strides = array<i32>} : memref<8x64xf32, #tpu.memory_space<vmem>>, vector<1x16xf32>,
      %get3A_174 = vector.shape_cast %get3A_173 : vector<1x16xf32> to vector<16xf32>
      %get3A_175 = arith.constant 1 : i32
      %get3A_176 = arith.index_cast %get3A_175 : i32 to index
      %get3A_177 = arith.constant 48 : index
      %get3A_178 = tpu.vector_load %arg6[%get3A_176, %get3A_177] {strides = array<i32>} : memref<8x64xf32, #tpu.memory_space<vmem>>, vector<1x16xf32>,
      %get3A_179 = vector.shape_cast %get3A_178 : vector<1x16xf32> to vector<16xf32>
      %add3A_180 = arith.addf %get3A_174, %get3A_179 : vector<16xf32>
      %get3A_181 = arith.constant 2 : i32
      %get3A_182 = arith.index_cast %get3A_181 : i32 to index
      %get3A_183 = arith.constant 48 : index
      %get3A_184 = tpu.vector_load %arg6[%get3A_182, %get3A_183] {strides = array<i32>} : memref<8x64xf32, #tpu.memory_space<vmem>>, vector<1x16xf32>,
      %get3A_185 = vector.shape_cast %get3A_184 : vector<1x16xf32> to vector<16xf32>
      %add3A_186 = arith.addf %add3A_180, %get3A_185 : vector<16xf32>
      %get3A_187 = arith.constant 3 : i32
      %get3A_188 = arith.index_cast %get3A_187 : i32 to index
      %get3A_189 = arith.constant 48 : index
      %get3A_190 = tpu.vector_load %arg6[%get3A_188, %get3A_189] {strides = array<i32>} : memref<8x64xf32, #tpu.memory_space<vmem>>, vector<1x16xf32>,
      %get3A_191 = vector.shape_cast %get3A_190 : vector<1x16xf32> to vector<16xf32>
      %add3A_192 = arith.addf %add3A_186, %get3A_191 : vector<16xf32>
      %get3A_193 = arith.constant 4 : i32
      %get3A_194 = arith.index_cast %get3A_193 : i32 to index
      %get3A_195 = arith.constant 48 : index
      %get3A_196 = tpu.vector_load %arg6[%get3A_194, %get3A_195] {strides = array<i32>} : memref<8x64xf32, #tpu.memory_space<vmem>>, vector<1x16xf32>,
      %get3A_197 = vector.shape_cast %get3A_196 : vector<1x16xf32> to vector<16xf32>
      %add3A_198 = arith.addf %add3A_192, %get3A_197 : vector<16xf32>
      %get3A_199 = arith.constant 5 : i32
      %get3A_200 = arith.index_cast %get3A_199 : i32 to index
      %get3A_201 = arith.constant 48 : index
      %get3A_202 = tpu.vector_load %arg6[%get3A_200, %get3A_201] {strides = array<i32>} : memref<8x64xf32, #tpu.memory_space<vmem>>, vector<1x16xf32>,
      %get3A_203 = vector.shape_cast %get3A_202 : vector<1x16xf32> to vector<16xf32>
      %add3A_204 = arith.addf %add3A_198, %get3A_203 : vector<16xf32>
      %get3A_205 = arith.constant 6 : i32
      %get3A_206 = arith.index_cast %get3A_205 : i32 to index
      %get3A_207 = arith.constant 48 : index
      %get3A_208 = tpu.vector_load %arg6[%get3A_206, %get3A_207] {strides = array<i32>} : memref<8x64xf32, #tpu.memory_space<vmem>>, vector<1x16xf32>,
      %get3A_209 = vector.shape_cast %get3A_208 : vector<1x16xf32> to vector<16xf32>
      %add3A_210 = arith.addf %add3A_204, %get3A_209 : vector<16xf32>
      %get3A_211 = arith.constant 7 : i32
      %get3A_212 = arith.index_cast %get3A_211 : i32 to index
      %get3A_213 = arith.constant 48 : index
      %get3A_214 = tpu.vector_load %arg6[%get3A_212, %get3A_213] {strides = array<i32>} : memref<8x64xf32, #tpu.memory_space<vmem>>, vector<1x16xf32>,
      %get3A_215 = vector.shape_cast %get3A_214 : vector<1x16xf32> to vector<16xf32>
      %add3A_216 = arith.addf %add3A_210, %get3A_215 : vector<16xf32>
      %swap3A_217 = arith.constant 0 : i32
      %swap3A_218 = arith.index_cast %swap3A_217 : i32 to index
      %swap3A_219 = arith.constant 48 : index
      %swap3A_220 = tpu.vector_load %arg7[%swap3A_218, %swap3A_219] {strides = array<i32>} : memref<1x64xf32, #tpu.memory_space<vmem>>, vector<1x16xf32>,
      %swap3A_221 = vector.shape_cast %swap3A_220 : vector<1x16xf32> to vector<16xf32>
      %swap3A_222 = vector.shape_cast %add3A_216 : vector<16xf32> to vector<1x16xf32>
      tpu.vector_store %arg7[%swap3A_218, %swap3A_219], %swap3A_222 {strides = array<i32>} : memref<1x64xf32, #tpu.memory_space<vmem>>, vector<1x16xf32>,
    } else {
    }
    %ge3A = arith.constant 25 : i32
    %ge3A_3 = arith.cmpi sge, %add3A, %ge3A : i32
    %convert_element_type3A_4 = arith.extui %ge3A_3 : i1 to i32
    %cond3A_5 = arith.constant 0 : i32
    %cond3A_6 = arith.cmpi ne, %convert_element_type3A_4, %cond3A_5 : i32
    scf.if %cond3A_6 {
      %broadcast_in_dim3A = arith.constant 0.000000e+00 : f32
      %broadcast_in_dim3A_7 = vector.broadcast %broadcast_in_dim3A : f32 to vector<16xf32>
      %swap3A = arith.constant 0 : i32
      %swap3A_8 = arith.index_cast %swap3A : i32 to index
      %swap3A_9 = arith.constant 0 : index
      %swap3A_10 = tpu.vector_load %arg7[%swap3A_8, %swap3A_9] {strides = array<i32>} : memref<1x64xf32, #tpu.memory_space<vmem>>, vector<1x16xf32>,
      %swap3A_11 = vector.shape_cast %swap3A_10 : vector<1x16xf32> to vector<16xf32>
      %swap3A_12 = vector.shape_cast %broadcast_in_dim3A_7 : vector<16xf32> to vector<1x16xf32>
      tpu.vector_store %arg7[%swap3A_8, %swap3A_9], %swap3A_12 {strides = array<i32>} : memref<1x64xf32, #tpu.memory_space<vmem>>, vector<1x16xf32>,
      %broadcast_in_dim3A_13 = arith.constant 0.000000e+00 : f32
      %broadcast_in_dim3A_14 = vector.broadcast %broadcast_in_dim3A_13 : f32 to vector<16xf32>
      %swap3A_15 = arith.constant 0 : i32
      %swap3A_16 = arith.index_cast %swap3A_15 : i32 to index
      %swap3A_17 = arith.constant 16 : index
      %swap3A_18 = tpu.vector_load %arg7[%swap3A_16, %swap3A_17] {strides = array<i32>} : memref<1x64xf32, #tpu.memory_space<vmem>>, vector<1x16xf32>,
      %swap3A_19 = vector.shape_cast %swap3A_18 : vector<1x16xf32> to vector<16xf32>
      %swap3A_20 = vector.shape_cast %broadcast_in_dim3A_14 : vector<16xf32> to vector<1x16xf32>
      tpu.vector_store %arg7[%swap3A_16, %swap3A_17], %swap3A_20 {strides = array<i32>} : memref<1x64xf32, #tpu.memory_space<vmem>>, vector<1x16xf32>,
      %broadcast_in_dim3A_21 = arith.constant 0.000000e+00 : f32
      %broadcast_in_dim3A_22 = vector.broadcast %broadcast_in_dim3A_21 : f32 to vector<16xf32>
      %swap3A_23 = arith.constant 0 : i32
      %swap3A_24 = arith.index_cast %swap3A_23 : i32 to index
      %swap3A_25 = arith.constant 32 : index
      %swap3A_26 = tpu.vector_load %arg7[%swap3A_24, %swap3A_25] {strides = array<i32>} : memref<1x64xf32, #tpu.memory_space<vmem>>, vector<1x16xf32>,
      %swap3A_27 = vector.shape_cast %swap3A_26 : vector<1x16xf32> to vector<16xf32>
      %swap3A_28 = vector.shape_cast %broadcast_in_dim3A_22 : vector<16xf32> to vector<1x16xf32>
      tpu.vector_store %arg7[%swap3A_24, %swap3A_25], %swap3A_28 {strides = array<i32>} : memref<1x64xf32, #tpu.memory_space<vmem>>, vector<1x16xf32>,
      %broadcast_in_dim3A_29 = arith.constant 0.000000e+00 : f32
      %broadcast_in_dim3A_30 = vector.broadcast %broadcast_in_dim3A_29 : f32 to vector<16xf32>
      %swap3A_31 = arith.constant 0 : i32
      %swap3A_32 = arith.index_cast %swap3A_31 : i32 to index
      %swap3A_33 = arith.constant 48 : index
      %swap3A_34 = tpu.vector_load %arg7[%swap3A_32, %swap3A_33] {strides = array<i32>} : memref<1x64xf32, #tpu.memory_space<vmem>>, vector<1x16xf32>,
      %swap3A_35 = vector.shape_cast %swap3A_34 : vector<1x16xf32> to vector<16xf32>
      %swap3A_36 = vector.shape_cast %broadcast_in_dim3A_30 : vector<16xf32> to vector<1x16xf32>
      tpu.vector_store %arg7[%swap3A_32, %swap3A_33], %swap3A_36 {strides = array<i32>} : memref<1x64xf32, #tpu.memory_space<vmem>>, vector<1x16xf32>,
    } else {
    }
    "tpu.region"() ({
      %run_scoped3A = tpu.sem_alloc : memref<!tpu.dma_semaphore, #tpu.memory_space<semaphore_mem>>
      %dma_start3A = arith.constant 0 : i32
      %dma_start3A_7 = tpu.memref_slice %arg4[%add3A, %dma_start3A] : memref<32x64xf32, #tpu.memory_space<hbm>> -> memref<1x64xf32, #tpu.memory_space<hbm>>
      %dma_start3A_8 = arith.constant 0 : i32
      %dma_start3A_9 = tpu.memref_slice %arg4[%add3A, %dma_start3A_8] : memref<32x64xf32, #tpu.memory_space<hbm>> -> memref<1x64xf32, #tpu.memory_space<hbm>>
      tpu.enqueue_dma source(%arg7 : memref<1x64xf32, #tpu.memory_space<vmem>>) target(%dma_start3A_9 : memref<1x64xf32, #tpu.memory_space<hbm>>) target_semaphore(%run_scoped3A : memref<!tpu.dma_semaphore, #tpu.memory_space<semaphore_mem>>)
      %dma_wait3A = arith.constant 0 : i32
      %dma_wait3A_10 = tpu.memref_slice %arg4[%add3A, %dma_wait3A] : memref<32x64xf32, #tpu.memory_space<hbm>> -> memref<1x64xf32, #tpu.memory_space<hbm>>
      %dma_wait3A_11 = arith.constant 0 : i32
      %dma_wait3A_12 = tpu.memref_slice %arg4[%add3A, %dma_wait3A_11] : memref<32x64xf32, #tpu.memory_space<hbm>> -> memref<1x64xf32, #tpu.memory_space<hbm>>
      tpu.wait_dma2 semaphore(%run_scoped3A : memref<!tpu.dma_semaphore, #tpu.memory_space<semaphore_mem>>) src(%arg7 : memref<1x64xf32, #tpu.memory_space<vmem>>) dst(%dma_wait3A_12 : memref<1x64xf32, #tpu.memory_space<hbm>>)
      tpu.yield
    }) : () -> ()
    return
  }
}

module attributes {stable_mosaic.version = 14 : i64} {
  func.func @_mlp_body(%arg0: i32, %arg1: memref<32x64xf32, #tpu.memory_space<vmem>>, %arg2: memref<64x128xf32, #tpu.memory_space<vmem>>, %arg3: memref<1x128xf32, #tpu.memory_space<vmem>>, %arg4: memref<64x12800xf32, #tpu.memory_space<vmem>>, %arg5: memref<64x12800xf32, #tpu.memory_space<vmem>>, %arg6: memref<1x12800xf32, #tpu.memory_space<vmem>>, %arg7: memref<8x12800xf32, #tpu.memory_space<vmem>>, %arg8: memref<1x128xf32, #tpu.memory_space<vmem>>, %arg9: memref<1x1xf32, #tpu.memory_space<vmem>>, %arg10: memref<1x1xf32, #tpu.memory_space<vmem>>) attributes {dimension_semantics = [#tpu.dimension_semantics<arbitrary>], iteration_bounds = array<i64: 8>, scalar_prefetch = 0 : i64, scratch_operands = 3 : i64, tpu.core_type = #tpu.core_type<tc>, window_params = [{pipeline_mode = #tpu.pipeline_mode<synchronous>, transform_indices = @transform_0, window_bounds = array<i64: 32, 64>}, {pipeline_mode = #tpu.pipeline_mode<synchronous>, transform_indices = @transform_1, window_bounds = array<i64: 64, 128>}, {pipeline_mode = #tpu.pipeline_mode<synchronous>, transform_indices = @transform_2, window_bounds = array<i64: 1, 128>}, {transform_indices = @transform_3, window_bounds = array<i64: 64, 12800>}, {transform_indices = @transform_4, window_bounds = array<i64: 64, 12800>}, {transform_indices = @transform_5, window_bounds = array<i64: 1, 12800>}, {pipeline_mode = #tpu.pipeline_mode<synchronous>, transform_indices = @transform_6, window_bounds = array<i64: 8, 12800>}]} {
    %eq3A = arith.constant 0 : i32
    %eq3A_0 = arith.cmpi eq, %arg0, %eq3A : i32
    %convert_element_type3A = arith.extui %eq3A_0 : i1 to i32
    %cond3A = arith.constant 0 : i32
    %cond3A_1 = arith.cmpi ne, %convert_element_type3A, %cond3A : i32
    scf.if %cond3A_1 {
      %get3A_53 = arith.constant 0 : index
      %get3A_54 = arith.constant 0 : index
      %get3A_55 = vector.load %arg1[%get3A_53, %get3A_54] : memref<32x64xf32, #tpu.memory_space<vmem>>, vector<32x64xf32>
      %reduce_sum3A_56 = arith.constant dense<0.000000e+00> : vector<64xf32>
      %reduce_sum3A_57 = vector.multi_reduction <add>, %get3A_55, %reduce_sum3A_56 [0] : vector<32x64xf32> to vector<64xf32>
      %broadcast_in_dim3A_58 = vector.shape_cast %reduce_sum3A_57 : vector<64xf32> to vector<1x64xf32>
      %get3A_59 = arith.constant 0 : index
      %get3A_60 = arith.constant 0 : index
      %get3A_61 = vector.load %arg2[%get3A_59, %get3A_60] : memref<64x128xf32, #tpu.memory_space<vmem>>, vector<64x128xf32>
      %dot_general3A_62 = arith.constant dense<0.000000e+00> : vector<1x128xf32>
      %dot_general3A_63 = tpu.matmul %broadcast_in_dim3A_58, %get3A_61, %dot_general3A_62 {dimension_numbers = #tpu.dot_dimension_numbers<[1], [0], [0], [1], [0, 0, 1, 1], [], []>, transpose_lhs_hint = false} : vector<1x64xf32>, vector<64x128xf32>, vector<1x128xf32> -> vector<1x128xf32>
      %get3A_64 = arith.constant 0 : index
      %get3A_65 = arith.constant 0 : index
      %get3A_66 = vector.load %arg3[%get3A_64, %get3A_65] : memref<1x128xf32, #tpu.memory_space<vmem>>, vector<1x128xf32>
      %add3A_67 = arith.addf %dot_general3A_63, %get3A_66 : vector<1x128xf32>
      %max3A_68 = arith.constant 0.000000e+00 : f32
      %max3A_69 = vector.broadcast %max3A_68 : f32 to vector<1x128xf32>
      %max3A_70 = arith.maximumf %add3A_67, %max3A_69 : vector<1x128xf32>
      %swap3A_71 = arith.constant 0 : index
      %swap3A_72 = arith.constant 0 : index
      %swap3A_73 = vector.load %arg8[%swap3A_71, %swap3A_72] : memref<1x128xf32, #tpu.memory_space<vmem>>, vector<1x128xf32>
      tpu.vector_store %arg8[%swap3A_71, %swap3A_72], %max3A_70 {strides = array<i32>} : memref<1x128xf32, #tpu.memory_space<vmem>>, vector<1x128xf32>,
      %broadcast_in_dim3A_74 = arith.constant 0xFF800000 : f32
      %broadcast_in_dim3A_75 = vector.broadcast %broadcast_in_dim3A_74 : f32 to vector<1x1xf32>
      %swap3A_76 = arith.constant 0 : index
      %swap3A_77 = arith.constant 0 : index
      %swap3A_78 = vector.load %arg9[%swap3A_76, %swap3A_77] : memref<1x1xf32, #tpu.memory_space<vmem>>, vector<1x1xf32>
      tpu.vector_store %arg9[%swap3A_76, %swap3A_77], %broadcast_in_dim3A_75 {strides = array<i32>} : memref<1x1xf32, #tpu.memory_space<vmem>>, vector<1x1xf32>,
      %broadcast_in_dim3A_79 = arith.constant 0.000000e+00 : f32
      %broadcast_in_dim3A_80 = vector.broadcast %broadcast_in_dim3A_79 : f32 to vector<1x1xf32>
      %swap3A_81 = arith.constant 0 : index
      %swap3A_82 = arith.constant 0 : index
      %swap3A_83 = vector.load %arg10[%swap3A_81, %swap3A_82] : memref<1x1xf32, #tpu.memory_space<vmem>>, vector<1x1xf32>
      tpu.vector_store %arg10[%swap3A_81, %swap3A_82], %broadcast_in_dim3A_80 {strides = array<i32>} : memref<1x1xf32, #tpu.memory_space<vmem>>, vector<1x1xf32>,
    } else {
    }
    %get3A = arith.constant 0 : index
    %get3A_2 = arith.constant 0 : index
    %get3A_3 = vector.load %arg8[%get3A, %get3A_2] : memref<1x128xf32, #tpu.memory_space<vmem>>, vector<1x64xf32>
    %get3A_4 = arith.constant 0 : index
    %get3A_5 = arith.constant 0 : index
    %get3A_6 = vector.load %arg4[%get3A_4, %get3A_5] : memref<64x12800xf32, #tpu.memory_space<vmem>>, vector<64x12800xf32>
    %dot_general3A = arith.constant dense<0.000000e+00> : vector<1x12800xf32>
    %dot_general3A_7 = tpu.matmul %get3A_3, %get3A_6, %dot_general3A {dimension_numbers = #tpu.dot_dimension_numbers<[1], [0], [0], [1], [0, 0, 1, 1], [], []>, transpose_lhs_hint = false} : vector<1x64xf32>, vector<64x12800xf32>, vector<1x12800xf32> -> vector<1x12800xf32>
    %get3A_8 = arith.constant 0 : index
    %get3A_9 = arith.constant 64 : index
    %get3A_10 = vector.load %arg8[%get3A_8, %get3A_9] : memref<1x128xf32, #tpu.memory_space<vmem>>, vector<1x64xf32>
    %get3A_11 = arith.constant 0 : index
    %get3A_12 = arith.constant 0 : index
    %get3A_13 = vector.load %arg5[%get3A_11, %get3A_12] : memref<64x12800xf32, #tpu.memory_space<vmem>>, vector<64x12800xf32>
    %dot_general3A_14 = arith.constant dense<0.000000e+00> : vector<1x12800xf32>
    %dot_general3A_15 = tpu.matmul %get3A_10, %get3A_13, %dot_general3A_14 {dimension_numbers = #tpu.dot_dimension_numbers<[1], [0], [0], [1], [0, 0, 1, 1], [], []>, transpose_lhs_hint = false} : vector<1x64xf32>, vector<64x12800xf32>, vector<1x12800xf32> -> vector<1x12800xf32>
    %add3A = arith.addf %dot_general3A_7, %dot_general3A_15 : vector<1x12800xf32>
    %get3A_16 = arith.constant 0 : index
    %get3A_17 = arith.constant 0 : index
    %get3A_18 = vector.load %arg6[%get3A_16, %get3A_17] : memref<1x12800xf32, #tpu.memory_space<vmem>>, vector<1x12800xf32>
    %add3A_19 = arith.addf %add3A, %get3A_18 : vector<1x12800xf32>
    %swap3A = arith.index_cast %arg0 : i32 to index
    %swap3A_20 = arith.constant 0 : index
    %swap3A_21 = vector.load %arg7[%swap3A, %swap3A_20] : memref<8x12800xf32, #tpu.memory_space<vmem>>, vector<1x12800xf32>
    tpu.vector_store %arg7[%swap3A, %swap3A_20], %add3A_19 {strides = array<i32>} : memref<8x12800xf32, #tpu.memory_space<vmem>>, vector<1x12800xf32>,
    %mul3A = arith.constant 12800 : i32
    %mul3A_22 = arith.muli %arg0, %mul3A : i32
    %iota3A = tpu.iota {dimensions = array<i32: 1>} : vector<1x12800xi32>
    %add3A_23 = vector.broadcast %mul3A_22 : i32 to vector<1x12800xi32>
    %add3A_24 = arith.addi %add3A_23, %iota3A : vector<1x12800xi32>
    %lt3A = arith.constant 100000 : i32
    %lt3A_25 = vector.broadcast %lt3A : i32 to vector<1x12800xi32>
    %lt3A_26 = arith.cmpi slt, %add3A_24, %lt3A_25 : vector<1x12800xi32>
    %jit3A = arith.constant 0xFF800000 : f32
    %broadcast_in_dim3A = vector.broadcast %jit3A : f32 to vector<1x12800xf32>
    %select_n3A = arith.select %lt3A_26, %add3A_19, %broadcast_in_dim3A : vector<1x12800xi1>, vector<1x12800xf32>
    %get3A_27 = arith.constant 0 : index
    %get3A_28 = arith.constant 0 : index
    %get3A_29 = vector.load %arg9[%get3A_27, %get3A_28] : memref<1x1xf32, #tpu.memory_space<vmem>>, vector<1x1xf32>
    %reduce_max3A = arith.constant dense<0xFF800000> : vector<1xf32>
    %reduce_max3A_30 = vector.multi_reduction <maximumf>, %select_n3A, %reduce_max3A [1] : vector<1x12800xf32> to vector<1xf32>
    %broadcast_in_dim3A_31 = vector.shape_cast %reduce_max3A_30 : vector<1xf32> to vector<1x1xf32>
    %max3A = arith.maximumf %get3A_29, %broadcast_in_dim3A_31 : vector<1x1xf32>
    %get3A_32 = arith.constant 0 : index
    %get3A_33 = arith.constant 0 : index
    %get3A_34 = vector.load %arg10[%get3A_32, %get3A_33] : memref<1x1xf32, #tpu.memory_space<vmem>>, vector<1x1xf32>
    %sub3A = arith.subf %get3A_29, %max3A : vector<1x1xf32>
    %exp3A = math.exp %sub3A : vector<1x1xf32>
    %mul3A_35 = arith.mulf %get3A_34, %exp3A : vector<1x1xf32>
    %sub3A_36 = vector.broadcast %max3A : vector<1x1xf32> to vector<1x12800xf32>
    %sub3A_37 = arith.subf %select_n3A, %sub3A_36 : vector<1x12800xf32>
    %exp3A_38 = math.exp %sub3A_37 : vector<1x12800xf32>
    %reduce_sum3A = arith.constant dense<0.000000e+00> : vector<1xf32>
    %reduce_sum3A_39 = vector.multi_reduction <add>, %exp3A_38, %reduce_sum3A [1] : vector<1x12800xf32> to vector<1xf32>
    %broadcast_in_dim3A_40 = vector.shape_cast %reduce_sum3A_39 : vector<1xf32> to vector<1x1xf32>
    %add3A_41 = arith.addf %mul3A_35, %broadcast_in_dim3A_40 : vector<1x1xf32>
    %swap3A_42 = arith.constant 0 : index
    %swap3A_43 = arith.constant 0 : index
    %swap3A_44 = vector.load %arg10[%swap3A_42, %swap3A_43] : memref<1x1xf32, #tpu.memory_space<vmem>>, vector<1x1xf32>
    tpu.vector_store %arg10[%swap3A_42, %swap3A_43], %add3A_41 {strides = array<i32>} : memref<1x1xf32, #tpu.memory_space<vmem>>, vector<1x1xf32>,
    %swap3A_45 = arith.constant 0 : index
    %swap3A_46 = arith.constant 0 : index
    %swap3A_47 = vector.load %arg9[%swap3A_45, %swap3A_46] : memref<1x1xf32, #tpu.memory_space<vmem>>, vector<1x1xf32>
    tpu.vector_store %arg9[%swap3A_45, %swap3A_46], %max3A {strides = array<i32>} : memref<1x1xf32, #tpu.memory_space<vmem>>, vector<1x1xf32>,
    %eq3A_48 = arith.constant 7 : i32
    %eq3A_49 = arith.cmpi eq, %arg0, %eq3A_48 : i32
    %convert_element_type3A_50 = arith.extui %eq3A_49 : i1 to i32
    %cond3A_51 = arith.constant 0 : i32
    %cond3A_52 = arith.cmpi ne, %convert_element_type3A_50, %cond3A_51 : i32
    scf.if %cond3A_52 {
      %get3A_53 = arith.constant 0 : index
      %get3A_54 = arith.constant 0 : index
      %get3A_55 = vector.load %arg9[%get3A_53, %get3A_54] : memref<1x1xf32, #tpu.memory_space<vmem>>, vector<1x1xf32>
      %get3A_56 = arith.constant 0 : index
      %get3A_57 = arith.constant 0 : index
      %get3A_58 = vector.load %arg10[%get3A_56, %get3A_57] : memref<1x1xf32, #tpu.memory_space<vmem>>, vector<1x1xf32>
      %log3A = math.log %get3A_58 : vector<1x1xf32>
      %add3A_59 = arith.addf %get3A_55, %log3A : vector<1x1xf32>
      %get3A_60 = arith.constant 0 : index
      %get3A_61 = arith.constant 0 : index
      %get3A_62 = vector.load %arg7[%get3A_60, %get3A_61] : memref<8x12800xf32, #tpu.memory_space<vmem>>, vector<8x12800xf32>
      %sub3A_63 = vector.broadcast %add3A_59 : vector<1x1xf32> to vector<8x12800xf32>
      %sub3A_64 = arith.subf %get3A_62, %sub3A_63 : vector<8x12800xf32>
      %swap3A_65 = arith.constant 0 : index
      %swap3A_66 = arith.constant 0 : index
      %swap3A_67 = vector.load %arg7[%swap3A_65, %swap3A_66] : memref<8x12800xf32, #tpu.memory_space<vmem>>, vector<8x12800xf32>
      tpu.vector_store %arg7[%swap3A_65, %swap3A_66], %sub3A_64 {strides = array<i32>} : memref<8x12800xf32, #tpu.memory_space<vmem>>, vector<8x12800xf32>,
    } else {
    }
    return
  }
  func.func @transform_0(%arg0: i32) -> (i32, i32) {
    %c0_i32 = arith.constant 0 : i32
    %c0_i32_0 = arith.constant 0 : i32
    %c0_i32_1 = arith.constant 0 : i32
    return %c0_i32, %c0_i32_0 : i32, i32
  }
  func.func @transform_1(%arg0: i32) -> (i32, i32) {
    %c0_i32 = arith.constant 0 : i32
    %c0_i32_0 = arith.constant 0 : i32
    %c0_i32_1 = arith.constant 0 : i32
    return %c0_i32, %c0_i32_0 : i32, i32
  }
  func.func @transform_2(%arg0: i32) -> (i32, i32) {
    %c0_i32 = arith.constant 0 : i32
    %c0_i32_0 = arith.constant 0 : i32
    %c0_i32_1 = arith.constant 0 : i32
    return %c0_i32, %c0_i32_0 : i32, i32
  }
  func.func @transform_3(%arg0: i32) -> (i32, i32) {
    %c0_i32 = arith.constant 0 : i32
    %c0_i32_0 = arith.constant 0 : i32
    return %c0_i32, %arg0 : i32, i32
  }
  func.func @transform_4(%arg0: i32) -> (i32, i32) {
    %c1_i32 = arith.constant 1 : i32
    %c0_i32 = arith.constant 0 : i32
    return %c1_i32, %arg0 : i32, i32
  }
  func.func @transform_5(%arg0: i32) -> (i32, i32) {
    %c0_i32 = arith.constant 0 : i32
    %c0_i32_0 = arith.constant 0 : i32
    return %c0_i32, %arg0 : i32, i32
  }
  func.func @transform_6(%arg0: i32) -> (i32, i32) {
    %c0_i32 = arith.constant 0 : i32
    %c0_i32_0 = arith.constant 0 : i32
    %c0_i32_1 = arith.constant 0 : i32
    return %c0_i32, %c0_i32_0 : i32, i32
  }
}

</mosaic_0001>

<sc_bundles>
// kernel: kernel.4.cloned.1.call-start
scs
__scs_entry_jumppad:
0x0: {  	(pc) =	sbr.rel $0x88, $3  }
0x1: {  	(tag) =	ssettag $0x0;
	lr =	simm.s32 $0x1  }
0x2: {  	[smem:$0x3F9B] =	sst lr;
	_ =	strace $0xD0000000  }
0x3: {  	_ = 	snop  }
0x4: {  	_ = 	snop  }
0x5: {  	_ = 	snop  }
0x6: {  	_ = 	snop  }
0x7: {  	_ = 	snop  }
__scs_overlays_trampoline_lowered:
0x8: {  	[smem:$0x3FAA] =	sst s0  }
0x9: {  	[smem:$0x3FAB] =	sst s1  }
0xa: {  	[smem:$0x3FAC] =	sst s2  }
0xb: {  	[smem:$0x3FAD] =	sst s3  }
0xc: {  	[smem:$0x3FAE] =	sst s4  }
0xd: {  	[smem:$0x3FAF] =	sst s5  }
0xe: {  	[smem:$0x3FB0] =	sst s6  }
0xf: {  	[smem:$0x3FB1] =	sst s7  }
0x10: {  	[smem:$0x3FB2] =	sst s8  }
0x11: {  	[smem:$0x3FB3] =	sst s9;
	s0 =	simm.s32 @!p0 $0x0  }
0x12: {  	s1 =	sld [smem:$0x3F99];
	s0 =	simm.s32 @p0 $0x1  }
0x13: {  	[smem:$0x3FB4] =	sst s0;
	s0 =	simm.s32 @!p1 $0x0  }
0x14: {  	s2 =	sld [smem:$0x3F98];
	s0 =	simm.s32 @p1 $0x1  }
0x15: {  	[smem:$0x3FB5] =	sst s0;
	s0 =	simm.s32 @!p2 $0x0  }
0x16: {  	s3 =	sld [smem:$0x3FDB];
	s0 =	simm.s32 @p2 $0x1  }
0x17: {  	s4 =	simm.s32 $0x1BF5;
	[smem:$0x3FB7] =	sst s0  }
0x18: {  	s0 =	sld [smem:$0x3F9A];
	_ =	swait.ge [sflag:s4], $0x0  }
0x19: {  	s7 =	sld [smem:$0x3F9B]  }
0x1a: {  	s8 =	sadd.s32 $0xFFFFE003, lr  }
0x1b: {  	s9 =	sadd.s32 $0xFFFFFEF7, lr;
	s5 =	simm.s32 $0xFFFFFFFF;
	p2 =	slt.u32 s8, $0xFFFFF086  }
0x1c: {  	p1 =	slt.u32 s9, $0xF7A;
	s5 =	simm.s32 @!p2 $0x0  }
0x1d: {  	s5 =	simm.s32 @p1 $0x1;
	p0 =	seq.s32 s7, s2  }
0x1e: {  	s7 =	smul.u32 @!p0 $0xF7A, s2;
	p2 =	seq.s32 @!p0 s5, $0x0  }
0x1f: {  	s9 =	smul.u32 $0xF7A, s1;
	s8 =	simm.s32 @!p0 $0x1BF5;
	p2 =	por !p2, p0  }
0x20: {  	[sflag:s8] =	ssyncset.s32 @!p0 $0xFFFFF086;
	s6 =	sadd.s32 @!p0 s3, s7;
	s7 =	simm.s32 @!p0 $0x108  }
0x21: {  	s3 =	sadd.s32 s3, s9;
	s6 =	sadd.s32 @!p0 $0x88, s6;
	s7 =	simm.s32 @p2 $0x1082  }
0x22: {  	[simem:s7], [sflag:s8] =	dma.local @!p0 [hbm:s6], $0xF7A  }
0x23: {  	s9 =	sor.u32 $0xD0000000, s2;
	s6 =	simm.s32 $0x108;
	_ =	swait.ge @!p0 [sflag:s8], $0x0  }
0x24: {  	s3 =	sadd.s32 $0x88, s3;
	s6 =	simm.s32 @!p1 $0x1082;
	[sflag:s4] =	ssyncset.s32 $0xFFFFF086  }
0x25: {  	[simem:s6], [sflag:s4] =	dma.local [hbm:s3], $0xF7A  }
0x26: {  	[smem:$0x3F9B] =	sst s1;
	(tag) =	ssettag s2;
	_ =	strace s9  }
0x27: {  	s1 =	sld [smem:$0x3FAB]  }
0x28: {  	s2 =	sld [smem:$0x3FAC]  }
0x29: {  	s4 =	sld [smem:$0x3FAE]  }
0x2a: {  	p0 =	seq.s32 s5, $0x0;
	s5 =	sld [smem:$0x3FAF]  }
0x2b: {  	s6 =	sld [smem:$0x3FB0]  }
0x2c: {  	s7 =	sld [smem:$0x3FB1]  }
0x2d: {  	s3 =	simm.s32 $0x108;
	s8 =	sld [smem:$0x3FB2]  }
0x2e: {  	s3 =	simm.s32 @!p0 $0x1082;
	s9 =	sld [smem:$0x3FB3]  }
0x2f: {  	lr =	sadd.s32 s0, s3;
	s0 =	sld [smem:$0x3FAA]  }
0x30: {  	s3 =	sld [smem:$0x3FAD]  }
0x31: {  	[smem:$0x3FB6] =	sst s10  }
0x32: {  	s10 =	sld [smem:$0x3FB4];
	_ =	sdelay $0x3  }
0x33: {  	p0 =	seq.s32 s10, $0x1;
	s10 =	sld [smem:$0x3FB6];
	_ =	sdelay $0x3  }
0x34: {  	[smem:$0x3FB6] =	sst s10  }
0x35: {  	s10 =	sld [smem:$0x3FB5];
	_ =	sdelay $0x3  }
0x36: {  	p1 =	seq.s32 s10, $0x1;
	s10 =	sld [smem:$0x3FB6];
	_ =	sdelay $0x3  }
0x37: {  	[smem:$0x3FB6] =	sst s10  }
0x38: {  	s10 =	sld [smem:$0x3FB7]  }
0x39: {  	_ = 	snop;
	(pc) =	sbr.ind lr, $3  }
0x3a: {  	_ = 	snop  }
0x3b: {  	_ = 	snop  }
0x3c: {  	p2 =	seq.s32 s10, $0x1;
	s10 =	sld [smem:$0x3FB6]  }
0x3d: {  	_ =	shalt  }
0x3e: {  	_ =	shalt  }
0x3f: {  	_ =	shalt  }
0x40: {  	_ =	shalt  }
0x41: {  	_ =	shalt  }
0x42: {  	_ =	shalt  }
0x43: {  	_ =	shalt  }
0x44: {  	_ =	shalt  }
0x45: {  	_ =	shalt  }
0x46: {  	_ =	shalt  }
0x47: {  	_ =	shalt  }
0x48: {  	_ =	shalt  }
0x49: {  	_ =	shalt  }
0x4a: {  	_ =	shalt  }
0x4b: {  	_ =	shalt  }
0x4c: {  	_ =	shalt  }
0x4d: {  	_ =	shalt  }
0x4e: {  	_ =	shalt  }
0x4f: {  	_ =	shalt  }
0x50: {  	_ =	shalt  }
0x51: {  	_ =	shalt  }
0x52: {  	_ =	shalt  }
0x53: {  	_ =	shalt  }
0x54: {  	_ =	shalt  }
0x55: {  	_ =	shalt  }
0x56: {  	_ =	shalt  }
0x57: {  	_ =	shalt  }
0x58: {  	_ =	shalt  }
0x59: {  	_ =	shalt  }
0x5a: {  	_ =	shalt  }
0x5b: {  	_ =	shalt  }
0x5c: {  	_ =	shalt  }
0x5d: {  	_ =	shalt  }
0x5e: {  	_ =	shalt  }
0x5f: {  	_ =	shalt  }
0x60: {  	_ =	shalt  }
0x61: {  	_ =	shalt  }
0x62: {  	_ =	shalt  }
0x63: {  	_ =	shalt  }
0x64: {  	_ =	shalt  }
0x65: {  	_ =	shalt  }
0x66: {  	_ =	shalt  }
0x67: {  	_ =	shalt  }
0x68: {  	_ =	shalt  }
0x69: {  	_ =	shalt  }
0x6a: {  	_ =	shalt  }
0x6b: {  	_ =	shalt  }
0x6c: {  	_ =	shalt  }
0x6d: {  	_ =	shalt  }
0x6e: {  	_ =	shalt  }
0x6f: {  	_ =	shalt  }
0x70: {  	_ =	shalt  }
0x71: {  	_ =	shalt  }
0x72: {  	_ =	shalt  }
0x73: {  	_ =	shalt  }
0x74: {  	_ =	shalt  }
0x75: {  	_ =	shalt  }
0x76: {  	_ =	shalt  }
0x77: {  	_ =	shalt  }
0x78: {  	_ =	shalt  }
0x79: {  	_ =	shalt  }
0x7a: {  	_ =	shalt  }
0x7b: {  	_ =	shalt  }
0x7c: {  	_ =	shalt  }
0x7d: {  	_ =	shalt  }
0x7e: {  	_ =	shalt  }
0x7f: {  	_ =	shalt  }
0x80: {  	_ =	shalt  }
0x81: {  	_ =	shalt  }
0x82: {  	_ =	shalt  }
0x83: {  	_ =	shalt  }
0x84: {  	_ =	shalt  }
0x85: {  	_ =	shalt  }
0x86: {  	_ =	shalt  }
0x87: {  	_ =	shalt  }
.Lfunc_end0:
.L_simem_size_0:
called_computation_lowered:
.L_overlay_start_0:
0x88: {  	s2 =	sld [smem:$0x3FD9]  }
0x89: {  	s3 =	sld [smem:$0x3FFE];
	_ =	sdelay $0x1  }
0x8a: {  	s1 =	srdreg.scid  }
0x8b: {  	s0 =	sand.u32 $0x1, s1  }
0x8c: {  	s17 =	sshll.u32 s0, $0xA;
	s2 =	sadd.s32 s3, s2  }
0x8d: {  	s2 =	sadd.s32 s2, s17  }
0x8e: {  	[smem:$0x3FC2] =	sst s2  }
0x8f: {  	_ = 	snop  }
0x90: {  	s2 =	sld [smem:$0x3FC9]  }
0x91: {  	s18 =	sld [smem:$0x3FD0];
	(tm) =	ssettm $0x1  }
0x92: {  	s4 =	sld [smem:$0x3FFB];
	_ =	sdelay $0x3  }
0x93: {  	_ =	strace s4  }
0x94: {  	s4 =	sld [smem:$0x3FFC];
	_ =	sdelay $0x3  }
0x95: {  	_ =	strace s4  }
0x96: {  	s4 =	sld [smem:$0x3FFD];
	_ =	sdelay $0x3  }
0x97: {  	_ =	strace s4  }
0x98: {  	_ =	strace $0x8FFFFFFF  }
0x99: {  	s19 =	sld [smem:$0x3FDB];
	_ =	sdelay $0x1  }
0x9a: {  	s5 =	simm.s32 $_scs_section_size  }
0x9b: {  	s6 =	simm.s32 $_size__tile_overlayer_lowered;
	s7 =	simm.s32 $_tile_overlayer_lowered  }
0x9c: {  	s22 =	simm.s32 $0x1BFF;
	s21 =	sshll.u32 s7, $0x1;
	s4 =	sadd.s32 s5, s19  }
0x9d: {  	s8 =	simm.s32 $0x0;
	s20 =	sshll.u32 s6, $0x1;
	s6 =	sadd.s32 s21, s4  }
0x9e: {  	[timem:s8], [sflag:s22] =	dma.local [hbm:s6], s20  }
0x9f: {  	_ =	swait.ge [sflag:s22], s20  }
0xa0: {  	s5 =	ssub.s32 $0x0, s20;
	[sflag:s22] =	ssyncset.done $0x0  }
0xa1: {  	[sflag:s22] =	ssyncadd.s32 s5;
	_ =	sdelay $0x1  }
0xa2: {  	s23 =	simm.s32 $0x1B8B  }
0xa3: {  	_ =	swait.ge [sflag:s23], $0x1  }
0xa4: {  	[sflag:s23] =	ssyncset.done $0x0  }
0xa5: {  	s25 =	simm.s32 $0x1B8E;
	s24 =	sld [smem:$0x3FFE];
	[sflag:s23] =	ssyncadd.s32 $0xFFFFFFFF  }
0xa6: {  	s26 =	simm.s32 $execute0_lowered;
	[smem:$0x3FD2] =	sst s25  }
0xa7: {  	s6 =	sshll.u32 s26, $0x1;
	_ =	strace $0x80000046;
	[dreg:$0x1] =	wrdreg $0xFFFFFFFF  }
0xa8: {  	s28 =	simm.s32 $_size_execute0_lowered;
	s4 =	sadd.s32 s4, s6;
	[dreg:$0x0] =	wrdreg $0x0  }
0xa9: {  	s6 =	sshll.u32 s28, $0x1;
	[dreg:$0x2] =	wrdreg s4  }
0xaa: {  	[dreg:$0x3] =	wrdreg s6  }
0xab: {  	[dreg:$0x4] =	wrdreg $0xC0  }
0xac: {  	_ =	task [dreg:s8], $0x5FFFF  }
0xad: {  	[dreg:$0x1] =	wrdreg $0xFFFFFFFF  }
0xae: {  	[dreg:$0x0] =	wrdreg $0x60  }
0xaf: {  	[dreg:$0x2] =	wrdreg s2  }
0xb0: {  	[dreg:$0x3] =	wrdreg s24  }
0xb1: {  	[dreg:$0x4] =	wrdreg s18  }
0xb2: {  	[dreg:$0x5] =	wrdreg $0x9  }
0xb3: {  	_ =	task.clear_ibuf [dreg:s8], $0x6FFFF;
	_ =	strace $0x90000046  }
0xb4: {  	s29 =	simm.s32 $0x9;
	_ =	strace $0x80000048  }
0xb5: {  	_ =	swait.ge [sflag:s29], $0x1  }
0xb6: {  	[sflag:s29] =	ssyncadd.s32 $0xFFFFFFFF  }
0xb7: {  	_ =	strace $0x90000048  }
0xb8: {  	_ =	sfence  }
0xb9: {  	s30 =	sld [smem:$0x0];
	_ =	sdelay $0x2  }
0xba: {  	s31 =	sshll.u32 s1, $0xD;
	s1 =	sshrl.u32 s1, $0x2  }
0xbb: {  	s3 =	sand.u32 $0x4000, s31;
	s1 =	sadd.s32 s1, s30  }
0xbc: {  	s0 =	sor.u32 s3, s0;
	s1 =	sshll.u32 s1, $0x11  }
0xbd: {  	s0 =	sor.u32 s1, s0  }
0xbe: {  	s0 =	sadd.s32 $0x8F2B, s0  }
0xbf: {  	[sflag:s0] =	ssyncadd.remote.s32 $0x1  }
0xc0: {  	_ =	sfence.sel $0xFFFF  }
0xc1: {  	[dreg:$0x0] =	wrdreg $0xFFFFFFFF;
	(pc) =	sbr.abs _section_cstart, $3  }
0xc2: {  	[dreg:$0x1] =	wrdreg $0xFFFFFFFF  }
0xc3: {  	_ =	task.clear_ibuf [dreg:s8], $0x2FFFF;
	_ =	strace $0x9FFFFFFF  }
0xc4: {  	(tm) =	ssettm $0x7FFFFFFF  }
0xc5: {  	_ =	shalt  }
tec
execute0_lowered:
.L_overlay_start_1:
0x0: {  	(tag) =	ssettag $0x1  }
0x1: {  	s4 =	rddreg [dreg:$0x0]  }
0x2: {  	s3 =	rddreg [dreg:$0x1]  }
0x3: {  	s5 =	rddreg [dreg:$0x2]  }
0x4: {  	s0 =	rddreg [dreg:$0x3];
	s2 =	simm.s32 $0x0  }
0x5: {  	s6 =	srdreg.scid;
	s1 =	stileid.u32;
	s10 =	simm.s32 $0x208  }
0x6: {  	[smem:$0x7FF] =	sst s2;
	s6 =	sand.u32 $0x1, s6;
	s7 =	sshll.u32 s1, $0x1  }
.Ltmp0:
0x7: {  	s3 =	sadd.s32 $0x187400, s3;
	s8 =	ssub.s32 $0x2, s6;
	(pc) =	sbr.rel .LBB2_1-.Ltmp0, $4  }
0x8: {  	_ =	strace $0x80000047;
	s7 =	sor.u32 s6, s7;
	s31 =	sshrl.u32 s8, $0x1  }
0x9: {  	s9 =	sshll.u32 s7, $0x3;
	s4 =	sadd.s32 s4, s7;
	p0 =	sgt.u32 s7, $0x18  }
0xa: {  	s7 =	simm.s32 $0x2;
	s6 =	ssub.s32 s8, s31;
	s5 =	sadd.s32 s5, s9  }
0xb: {  	s8 =	simm.s32 $0x8;
	s9 =	simm.s32 $0x1;
	s6 =	smax.u32 s6, $0x1  }
.LBB2_3:
0xc: {  	v0 =	vimm.f32 $0.0e+00  }
0xd: {  	[tilespmem:$0x208] =	vst v0  }
0xe: {  	[tilespmem:$0x218] =	vst v0  }
0xf: {  	[tilespmem:$0x228] =	vst v0  }
.LBB2_4:
0x10: {  	s6 =	sadd.s32 $0xFFFFFFFF, s6  }
0x11: {  	p1 =	sne.s32 s6, $0x0  }
.Ltmp1:
0x12: {  	[tilespmem:$0x238] =	vst v0;
	(pc) =	sbr.rel @!p1 .LBB2_5-.Ltmp1, $4  }
0x13: {  	[hbm4b:s5+s2] =	stream.linear.scatter [tilespmem:s10], [sflag:$0x2], $0x40, $0x38;
	[tilespmem:$0x248] =	vst v63  }
0x14: {  	_ =	swait.ge [sflag:s7], $0x40  }
0x15: {  	[sflag:s7] =	ssyncset.done $0x0  }
0x16: {  	[sflag:s7] =	ssyncadd.s32 $0xFFFFFFC0  }
.LBB2_1:
.Ltmp2:
0x17: {  	(pc) =	sbr.rel @p0 .LBB2_3-.Ltmp2, $1  }
0x18: {  	_ =	sdelay $0x3  }
0x19: {  	[tilespmem:s2], [sflag:$0x2] =	stream.linear.gather [hbm4b:s4+s2], $0x8, $0x38;
	[tilespmem:$0x248] =	vst v63  }
0x1a: {  	_ =	swait.ge [sflag:s7], $0x8  }
0x1b: {  	[sflag:s7] =	ssyncset.done $0x0  }
0x1c: {  	[sflag:s7] =	ssyncadd.s32 $0xFFFFFFF8  }
0x1d: {  	[tilespmem:s8], [sflag:$0x1] =	stream.indirect.gather [hbm4b:s3+s8], $0x40, s2, s8, $0xb8;
	[tilespmem:$0x248] =	vst v63  }
0x1e: {  	_ =	swait.ge [sflag:s9], $0x200  }
0x1f: {  	[sflag:s9] =	ssyncset.done $0x0  }
0x20: {  	[sflag:s9] =	ssyncadd.s32 $0xFFFFFE00  }
0x21: {  	v0 =	vld [tilespmem:$0x8]  }
0x22: {  	v1 =	vld [tilespmem:$0x48]  }
0x23: {  	v2 =	vld [tilespmem:$0x88]  }
0x24: {  	v3 =	vld [tilespmem:$0xC8]  }
0x25: {  	v4 =	vld [tilespmem:$0x108]  }
0x26: {  	v5 =	vld [tilespmem:$0x148]  }
0x27: {  	v6 =	vld [tilespmem:$0x188]  }
0x28: {  	v7 =	vld [tilespmem:$0x1C8]  }
0x29: {  	v8 =	vld [tilespmem:$0x18]  }
0x2a: {  	v9 =	vld [tilespmem:$0x58]  }
0x2b: {  	v10 =	vld [tilespmem:$0x98]  }
0x2c: {  	v11 =	vld [tilespmem:$0xD8]  }
0x2d: {  	v12 =	vld [tilespmem:$0x118]  }
0x2e: {  	v13 =	vld [tilespmem:$0x158]  }
0x2f: {  	v14 =	vld [tilespmem:$0x198]  }
0x30: {  	v16 =	vld [tilespmem:$0x28]  }
0x31: {  	v17 =	vld [tilespmem:$0x68]  }
0x32: {  	v15 =	vld [tilespmem:$0x1D8]  }
0x33: {  	v18 =	vld [tilespmem:$0xA8]  }
0x34: {  	v19 =	vld [tilespmem:$0x38]  }
0x35: {  	v0 =	vadd.f32 v1, v0;
	v1 =	vld [tilespmem:$0x78]  }
0x36: {  	v20 =	vld [tilespmem:$0xE8];
	v55 =	vadd.f32 v17, v16  }
0x37: {  	v54 =	vld [tilespmem:$0xB8];
	v0 =	vadd.f32 v2, v0;
	v2 =	vadd.f32 v9, v8  }
0x38: {  	v56 =	vld [tilespmem:$0x128];
	v9 =	vadd.f32 v18, v55  }
0x39: {  	v0 =	vadd.f32 v3, v0;
	v2 =	vadd.f32 v10, v2;
	v3 =	vld [tilespmem:$0xF8]  }
0x3a: {  	v57 =	vld [tilespmem:$0x168];
	v1 =	vadd.f32 v1, v19  }
0x3b: {  	v58 =	vld [tilespmem:$0x138];
	v9 =	vadd.f32 v20, v9;
	v2 =	vadd.f32 v11, v2  }
0x3c: {  	v59 =	vld [tilespmem:$0x1A8];
	v0 =	vadd.f32 v4, v0;
	v1 =	vadd.f32 v54, v1  }
0x3d: {  	v60 =	vld [tilespmem:$0x178];
	v9 =	vadd.f32 v56, v9;
	v2 =	vadd.f32 v12, v2  }
0x3e: {  	v61 =	vld [tilespmem:$0x1B8];
	v0 =	vadd.f32 v5, v0;
	v1 =	vadd.f32 v3, v1  }
0x3f: {  	v9 =	vadd.f32 v57, v9;
	v3 =	vld [tilespmem:$0x1E8];
	v2 =	vadd.f32 v13, v2  }
0x40: {  	v0 =	vadd.f32 v6, v0;
	v1 =	vadd.f32 v58, v1  }
0x41: {  	v62 =	vld [tilespmem:$0x1F8];
	v63 =	vadd.f32 v59, v9;
	v2 =	vadd.f32 v14, v2  }
.Ltmp3:
0x42: {  	v0 =	vadd.f32 v7, v0;
	v1 =	vadd.f32 v60, v1;
	(pc) =	sbr.rel .LBB2_4-.Ltmp3, $4  }
0x43: {  	v2 =	vadd.f32 v15, v2  }
0x44: {  	[tilespmem:$0x208] =	vst v0;
	v0 =	vadd.f32 v3, v63;
	v1 =	vadd.f32 v61, v1  }
0x45: {  	[tilespmem:$0x218] =	vst v2  }
0x46: {  	[tilespmem:$0x228] =	vst v0;
	v0 =	vadd.f32 v62, v1  }
.LBB2_5:
0x47: {  	_ =	sfence.sel $0x180000  }
0x48: {  	[bflag:$0x0] =	sbarrier.arrive $0xFFFF  }
0x49: {  	p0 =	sne.s32 s1, $0x0;
	_ =	strace $0x90000047  }
0x4a: {  	s0 =	sadd.s32 @!p0 $0x100000, s0;
	[bflag:$0x2] =	sbarrier.arrive $0xFFFF  }
0x4b: {  	[sflag:s0] =	ssyncadd.tile.s32 @!p0 $0x1;
	_ =	shalt  }
.Lfunc_end2:
_tile_overlayer_lowered:
.L_overlay_start_2:
0x4c: {  	(tag) =	ssettag $0x2  }
0x4d: {  	s0 =	rddreg [dreg:$0x0];
	s2 =	stileid.u32  }
0x4e: {  	s1 =	rddreg [dreg:$0x1];
	p0 =	sne.s32 s2, $0x0  }
0x4f: {  	s3 =	rddreg [dreg:$0x2];
	[bflag:$0x3] =	sbarrier.arrive $0xFFFF;
	s2 =	simm.s32 @!p0 $0x1C02  }
0x50: {  	[timem:s3], [sflag:s2] =	dma.local @!p0 [hbm:s0], s1  }
0x51: {  	s0 =	simm.s32 @!p0 $0x2  }
0x52: {  	_ =	swait.ge @!p0 [sflag:s0], s1  }
0x53: {  	s1 =	ssub.s32 @!p0 $0x0, s1;
	[sflag:s0] =	ssyncset.done @!p0 $0x0  }
0x54: {  	[sflag:s0] =	ssyncadd.s32 @!p0 s1  }
0x55: {  	[bflag:$0x3] =	sbarrier.arrive $0xFFFF  }
0x56: {  	_ =	shalt  }

</sc_bundles>
